<compile_context>
chip_gen: v7x
topology: tpu7x:2x2x1
jax: 0.10.2.dev20260603
libtpu: 0.0.44.dev20260713+nightly
codegen_flags: <defaults>
</compile_context>

<pallas_src>
import functools

import jax
import jax.numpy as jnp
from jax import lax
from jax.experimental import pallas as pl
from jax.experimental.pallas import tpu as pltpu
from jax.experimental.pallas import tpu_sc as plsc

N_TOKENS = 16384
DIM = 64
N_CODES = 1024

BM = 4096


def _row_norm_sq(x2):
    t = x2[:, 0:8]
    for v in range(1, 8):
        t = t + x2[:, 8 * v:8 * v + 8]
    u = t[:, 4:8] + t[:, 0:4]
    w = u[:, 2:4] + u[:, 0:2]
    return w[:, 1:2] + w[:, 0:1]


def _argmin_body(x_ref, cb_ref, idx_ref):
    x = x_ref[...]
    cb = cb_ref[...]
    a2 = _row_norm_sq(x * x)
    b2 = jnp.sum(cb * cb, axis=1)[None, :]
    mm2 = lax.dot_general(x + x, cb, (((1,), (1,)), ((), ())),
                          preferred_element_type=jnp.float32)
    d2 = (a2 + b2) - mm2
    d = jnp.sqrt(jnp.maximum(d2, 0.0))
    lane = lax.broadcasted_iota(jnp.int32, (BM, 128), 1)
    run_d = d[:, 0:128]
    run_j = lane
    for c in range(1, N_CODES // 128):
        blk = d[:, 128 * c:128 * (c + 1)]
        lt = blk < run_d
        run_d = jnp.minimum(run_d, blk)
        run_j = jnp.where(lt, lane + jnp.int32(128 * c), run_j)
    dmin = jnp.min(run_d, axis=1, keepdims=True)
    sel = jnp.where(run_d == dmin, run_j, jnp.int32(2**30))
    idx_ref[...] = jnp.min(sel, axis=1)


def _argmin_call(x, codebook):
    n = x.shape[0]
    return pl.pallas_call(
        _argmin_body,
        grid=(n // BM,),
        in_specs=[
            pl.BlockSpec((BM, DIM), lambda i: (i, 0)),
            pl.BlockSpec((N_CODES, DIM), lambda i: (0, 0)),
        ],
        out_specs=pl.BlockSpec((BM,), lambda i: (i,)),
        out_shape=jax.ShapeDtypeStruct((n,), jnp.int32),
    )(x, codebook)


_NC, _NS = 2, 16
NW = _NC * _NS
BPW = N_TOKENS // NW
CH = 128
NCH = BPW // CH

@functools.cache
def _make_gather_sc(n_tokens):
    bpw = n_tokens // NW
    nch = bpw // CH
    mesh = plsc.VectorSubcoreMesh(
        core_axis_name="c", subcore_axis_name="s")

    @functools.partial(
        pl.kernel,
        mesh=mesh,
        compiler_params=pltpu.CompilerParams(use_tc_tiling_on_sc=False),
        out_type=jax.ShapeDtypeStruct((n_tokens, DIM), jnp.float32),
        scratch_types=[
            pltpu.VMEM((bpw,), jnp.int32),
            pltpu.VMEM((nch, CH, DIM), jnp.float32),
            pltpu.SemaphoreType.DMA,
        ],
    )
    def _gather_sc(cb_hbm, idx_hbm, out_hbm, idx_v, rows_v, sem):
        wid = lax.axis_index("s") * _NC + lax.axis_index("c")
        base = wid * bpw
        pltpu.sync_copy(idx_hbm.at[pl.ds(base, bpw)], idx_v)
        copies = [
            pltpu.async_copy(
                cb_hbm.at[idx_v.at[pl.ds(i * CH, CH)]], rows_v.at[i], sem)
            for i in range(nch)
        ]
        for c in copies:
            c.wait()
        for i in range(nch):
            pltpu.sync_copy(rows_v.at[i], out_hbm.at[pl.ds(base + i * CH, CH)])

    return _gather_sc


def kernel(x, codebook):
    indices = _argmin_call(x, codebook)
    z = _make_gather_sc(N_TOKENS)(codebook, indices)
    return (z, z, x, indices)

# --- scband reference (transcript-rebuilt; emitter-appended) ---
"""Pipeline reference for scband-vector-quantizer-5488968204711 (READ-ONLY COPY).

The authoritative reference and input builder live on the scoring server;
editing this copy changes nothing except your own understanding.
"""

import jax, jax.numpy as jnp
import numpy as np


def _cdist(a, b):
    # Euclidean distance matrix, matching torch.cdist(p=2) semantics
    a2 = jnp.sum(a * a, axis=1, keepdims=True)
    b2 = jnp.sum(b * b, axis=1)[None, :]
    d2 = a2 + b2 - 2.0 * (a @ b.T)
    return jnp.sqrt(jnp.maximum(d2, 0.0))


def setup_inputs(seed: int = 0) -> dict:
    key = jax.random.key(seed)
    k1, k2 = jax.random.split(key)
    num_latents = 1024
    latent_dim = 64
    x = jax.random.normal(k1, (16384, latent_dim), dtype=jnp.float32)
    # nn.Embedding weight initialized uniform_(-1/num_latents, 1/num_latents)
    codebook = jax.random.uniform(
        k2, (num_latents, latent_dim), dtype=jnp.float32,
        minval=-1.0 / num_latents, maxval=1.0 / num_latents)
    return {"x": x, "codebook": codebook}


def reference(x, codebook):
    # forward with delta_psnr=False (default)
    x_fp32 = x.astype(jnp.float32)
    cb_fp32 = codebook.astype(jnp.float32)
    distance = _cdist(x_fp32, cb_fp32)
    indices = jnp.argmin(distance, axis=1)
    z = jnp.take(codebook, indices, axis=0)  # F.embedding(indices, codebook)
    # straight-through: z_q = x + (z - x).detach()
    z_q = x + jax.lax.stop_gradient(z - x)
    return (z_q, z, x, indices)

if __name__ == "__main__":
    import jax
    _d = setup_inputs()
    print(jax.jit(kernel)(*tuple(_d.values())))

</pallas_src>

<mosaic_0001>
#map = affine_map<(d0, d1) -> (0, 0)>
#map1 = affine_map<(d0, d1) -> (0)>
module attributes {stable_mosaic.version = 14 : i64} {
  func.func @_gather_sc(%arg0: i32, %arg1: i32, %arg2: memref<1024x64xf32, #tpu.memory_space<hbm>>, %arg3: memref<16384xi32, #tpu.memory_space<hbm>>, %arg4: memref<16384x64xf32, #tpu.memory_space<hbm>>, %arg5: memref<512xi32, #tpu.memory_space<vmem>>, %arg6: memref<4x128x64xf32, #tpu.memory_space<vmem>>, %arg7: memref<!tpu.dma_semaphore, #tpu.memory_space<semaphore_mem>>) attributes {dimension_semantics = [#tpu.dimension_semantics<core_parallel>, #tpu.dimension_semantics<subcore_parallel>], iteration_bounds = array<i64: 2, 16>, scalar_prefetch = 0 : i64, scratch_operands = 3 : i64, tpu.core_type = #tpu.core_type<sc_vector_subcore>, window_params = [{transform_indices = #map}, {transform_indices = #map1}, {transform_indices = #map}]} {
    %mul3A = arith.constant 2 : i32
    %mul3A_0 = arith.muli %arg1, %mul3A : i32
    %add3A = arith.addi %mul3A_0, %arg0 : i32
    %mul3A_1 = arith.constant 512 : i32
    %mul3A_2 = arith.muli %add3A, %mul3A_1 : i32
    "tpu.region"() ({
      %run_scoped3A_92 = tpu.sem_alloc : memref<!tpu.dma_semaphore, #tpu.memory_space<semaphore_mem>>
      %dma_start3A_93 = tpu.memref_slice %arg3[%mul3A_2] : memref<16384xi32, #tpu.memory_space<hbm>> -> memref<512xi32, #tpu.memory_space<hbm>>
      %dma_start3A_94 = tpu.memref_slice %arg3[%mul3A_2] : memref<16384xi32, #tpu.memory_space<hbm>> -> memref<512xi32, #tpu.memory_space<hbm>>
      tpu.enqueue_dma source(%dma_start3A_94 : memref<512xi32, #tpu.memory_space<hbm>>) target(%arg5 : memref<512xi32, #tpu.memory_space<vmem>>) target_semaphore(%run_scoped3A_92 : memref<!tpu.dma_semaphore, #tpu.memory_space<semaphore_mem>>)
      %dma_wait3A_95 = tpu.memref_slice %arg3[%mul3A_2] : memref<16384xi32, #tpu.memory_space<hbm>> -> memref<512xi32, #tpu.memory_space<hbm>>
      %dma_wait3A_96 = tpu.memref_slice %arg3[%mul3A_2] : memref<16384xi32, #tpu.memory_space<hbm>> -> memref<512xi32, #tpu.memory_space<hbm>>
      tpu.wait_dma2 semaphore(%run_scoped3A_92 : memref<!tpu.dma_semaphore, #tpu.memory_space<semaphore_mem>>) src(%dma_wait3A_96 : memref<512xi32, #tpu.memory_space<hbm>>) dst(%arg5 : memref<512xi32, #tpu.memory_space<vmem>>)
      tpu.yield
    }) : () -> ()
    %dma_start3A = arith.constant 0 : i32
    %dma_start3A_3 = arith.constant 0 : i32
    %dma_start3A_4 = arith.constant 0 : i32
    %dma_start3A_5 = tpu.memref_slice %arg6[%dma_start3A, %dma_start3A_3, %dma_start3A_4] : memref<4x128x64xf32, #tpu.memory_space<vmem>> -> memref<1x128x64xf32, #tpu.memory_space<vmem>>
    %dma_start3A_6 = tpu.memref_squeeze %dma_start3A_5 : memref<1x128x64xf32, #tpu.memory_space<vmem>> -> memref<128x64xf32, #tpu.memory_space<vmem>>
    %dma_start3A_7 = arith.constant 0 : i32
    %dma_start3A_8 = tpu.memref_slice %arg5[%dma_start3A_7] : memref<512xi32, #tpu.memory_space<vmem>> -> memref<128xi32, #tpu.memory_space<vmem>>
    %dma_start3A_9 = arith.constant 0 : i32
    %dma_start3A_10 = arith.constant 0 : i32
    %dma_start3A_11 = tpu.memref_slice %arg2[%dma_start3A_9, %dma_start3A_10] : memref<1024x64xf32, #tpu.memory_space<hbm>> -> memref<1024x64xf32, #tpu.memory_space<hbm>>
    tpu.enqueue_indirect_dma source(%dma_start3A_11 : memref<1024x64xf32, #tpu.memory_space<hbm>>) target(%dma_start3A_6 : memref<128x64xf32, #tpu.memory_space<vmem>>) offsets(%dma_start3A_8 : memref<128xi32, #tpu.memory_space<vmem>>) semaphore(%arg7 : memref<!tpu.dma_semaphore, #tpu.memory_space<semaphore_mem>>)
    %dma_start3A_12 = arith.constant 1 : i32
    %dma_start3A_13 = arith.constant 0 : i32
    %dma_start3A_14 = arith.constant 0 : i32
    %dma_start3A_15 = tpu.memref_slice %arg6[%dma_start3A_12, %dma_start3A_13, %dma_start3A_14] : memref<4x128x64xf32, #tpu.memory_space<vmem>> -> memref<1x128x64xf32, #tpu.memory_space<vmem>>
    %dma_start3A_16 = tpu.memref_squeeze %dma_start3A_15 : memref<1x128x64xf32, #tpu.memory_space<vmem>> -> memref<128x64xf32, #tpu.memory_space<vmem>>
    %dma_start3A_17 = arith.constant 128 : i32
    %dma_start3A_18 = tpu.memref_slice %arg5[%dma_start3A_17] : memref<512xi32, #tpu.memory_space<vmem>> -> memref<128xi32, #tpu.memory_space<vmem>>
    %dma_start3A_19 = arith.constant 0 : i32
    %dma_start3A_20 = arith.constant 0 : i32
    %dma_start3A_21 = tpu.memref_slice %arg2[%dma_start3A_19, %dma_start3A_20] : memref<1024x64xf32, #tpu.memory_space<hbm>> -> memref<1024x64xf32, #tpu.memory_space<hbm>>
    tpu.enqueue_indirect_dma source(%dma_start3A_21 : memref<1024x64xf32, #tpu.memory_space<hbm>>) target(%dma_start3A_16 : memref<128x64xf32, #tpu.memory_space<vmem>>) offsets(%dma_start3A_18 : memref<128xi32, #tpu.memory_space<vmem>>) semaphore(%arg7 : memref<!tpu.dma_semaphore, #tpu.memory_space<semaphore_mem>>)
    %dma_start3A_22 = arith.constant 2 : i32
    %dma_start3A_23 = arith.constant 0 : i32
    %dma_start3A_24 = arith.constant 0 : i32
    %dma_start3A_25 = tpu.memref_slice %arg6[%dma_start3A_22, %dma_start3A_23, %dma_start3A_24] : memref<4x128x64xf32, #tpu.memory_space<vmem>> -> memref<1x128x64xf32, #tpu.memory_space<vmem>>
    %dma_start3A_26 = tpu.memref_squeeze %dma_start3A_25 : memref<1x128x64xf32, #tpu.memory_space<vmem>> -> memref<128x64xf32, #tpu.memory_space<vmem>>
    %dma_start3A_27 = arith.constant 256 : i32
    %dma_start3A_28 = tpu.memref_slice %arg5[%dma_start3A_27] : memref<512xi32, #tpu.memory_space<vmem>> -> memref<128xi32, #tpu.memory_space<vmem>>
    %dma_start3A_29 = arith.constant 0 : i32
    %dma_start3A_30 = arith.constant 0 : i32
    %dma_start3A_31 = tpu.memref_slice %arg2[%dma_start3A_29, %dma_start3A_30] : memref<1024x64xf32, #tpu.memory_space<hbm>> -> memref<1024x64xf32, #tpu.memory_space<hbm>>
    tpu.enqueue_indirect_dma source(%dma_start3A_31 : memref<1024x64xf32, #tpu.memory_space<hbm>>) target(%dma_start3A_26 : memref<128x64xf32, #tpu.memory_space<vmem>>) offsets(%dma_start3A_28 : memref<128xi32, #tpu.memory_space<vmem>>) semaphore(%arg7 : memref<!tpu.dma_semaphore, #tpu.memory_space<semaphore_mem>>)
    %dma_start3A_32 = arith.constant 3 : i32
    %dma_start3A_33 = arith.constant 0 : i32
    %dma_start3A_34 = arith.constant 0 : i32
    %dma_start3A_35 = tpu.memref_slice %arg6[%dma_start3A_32, %dma_start3A_33, %dma_start3A_34] : memref<4x128x64xf32, #tpu.memory_space<vmem>> -> memref<1x128x64xf32, #tpu.memory_space<vmem>>
    %dma_start3A_36 = tpu.memref_squeeze %dma_start3A_35 : memref<1x128x64xf32, #tpu.memory_space<vmem>> -> memref<128x64xf32, #tpu.memory_space<vmem>>
    %dma_start3A_37 = arith.constant 384 : i32
    %dma_start3A_38 = tpu.memref_slice %arg5[%dma_start3A_37] : memref<512xi32, #tpu.memory_space<vmem>> -> memref<128xi32, #tpu.memory_space<vmem>>
    %dma_start3A_39 = arith.constant 0 : i32
    %dma_start3A_40 = arith.constant 0 : i32
    %dma_start3A_41 = tpu.memref_slice %arg2[%dma_start3A_39, %dma_start3A_40] : memref<1024x64xf32, #tpu.memory_space<hbm>> -> memref<1024x64xf32, #tpu.memory_space<hbm>>
    tpu.enqueue_indirect_dma source(%dma_start3A_41 : memref<1024x64xf32, #tpu.memory_space<hbm>>) target(%dma_start3A_36 : memref<128x64xf32, #tpu.memory_space<vmem>>) offsets(%dma_start3A_38 : memref<128xi32, #tpu.memory_space<vmem>>) semaphore(%arg7 : memref<!tpu.dma_semaphore, #tpu.memory_space<semaphore_mem>>)
    %dma_wait3A = arith.constant 0 : i32
    %dma_wait3A_42 = arith.constant 0 : i32
    %dma_wait3A_43 = arith.constant 0 : i32
    %dma_wait3A_44 = tpu.memref_slice %arg6[%dma_wait3A, %dma_wait3A_42, %dma_wait3A_43] : memref<4x128x64xf32, #tpu.memory_space<vmem>> -> memref<1x128x64xf32, #tpu.memory_space<vmem>>
    %dma_wait3A_45 = tpu.memref_squeeze %dma_wait3A_44 : memref<1x128x64xf32, #tpu.memory_space<vmem>> -> memref<128x64xf32, #tpu.memory_space<vmem>>
    %dma_wait3A_46 = arith.constant 0 : i32
    %dma_wait3A_47 = tpu.memref_slice %arg5[%dma_wait3A_46] : memref<512xi32, #tpu.memory_space<vmem>> -> memref<128xi32, #tpu.memory_space<vmem>>
    %dma_wait3A_48 = arith.constant 0 : i32
    %dma_wait3A_49 = arith.constant 0 : i32
    %dma_wait3A_50 = tpu.memref_slice %arg2[%dma_wait3A_48, %dma_wait3A_49] : memref<1024x64xf32, #tpu.memory_space<hbm>> -> memref<1024x64xf32, #tpu.memory_space<hbm>>
    tpu.wait_indirect_dma semaphore(%arg7 : memref<!tpu.dma_semaphore, #tpu.memory_space<semaphore_mem>>) src(%dma_wait3A_50 : memref<1024x64xf32, #tpu.memory_space<hbm>>) dst(%dma_wait3A_45 : memref<128x64xf32, #tpu.memory_space<vmem>>)
    %dma_wait3A_51 = arith.constant 1 : i32
    %dma_wait3A_52 = arith.constant 0 : i32
    %dma_wait3A_53 = arith.constant 0 : i32
    %dma_wait3A_54 = tpu.memref_slice %arg6[%dma_wait3A_51, %dma_wait3A_52, %dma_wait3A_53] : memref<4x128x64xf32, #tpu.memory_space<vmem>> -> memref<1x128x64xf32, #tpu.memory_space<vmem>>
    %dma_wait3A_55 = tpu.memref_squeeze %dma_wait3A_54 : memref<1x128x64xf32, #tpu.memory_space<vmem>> -> memref<128x64xf32, #tpu.memory_space<vmem>>
    %dma_wait3A_56 = arith.constant 128 : i32
    %dma_wait3A_57 = tpu.memref_slice %arg5[%dma_wait3A_56] : memref<512xi32, #tpu.memory_space<vmem>> -> memref<128xi32, #tpu.memory_space<vmem>>
    %dma_wait3A_58 = arith.constant 0 : i32
    %dma_wait3A_59 = arith.constant 0 : i32
    %dma_wait3A_60 = tpu.memref_slice %arg2[%dma_wait3A_58, %dma_wait3A_59] : memref<1024x64xf32, #tpu.memory_space<hbm>> -> memref<1024x64xf32, #tpu.memory_space<hbm>>
    tpu.wait_indirect_dma semaphore(%arg7 : memref<!tpu.dma_semaphore, #tpu.memory_space<semaphore_mem>>) src(%dma_wait3A_60 : memref<1024x64xf32, #tpu.memory_space<hbm>>) dst(%dma_wait3A_55 : memref<128x64xf32, #tpu.memory_space<vmem>>)
    %dma_wait3A_61 = arith.constant 2 : i32
    %dma_wait3A_62 = arith.constant 0 : i32
    %dma_wait3A_63 = arith.constant 0 : i32
    %dma_wait3A_64 = tpu.memref_slice %arg6[%dma_wait3A_61, %dma_wait3A_62, %dma_wait3A_63] : memref<4x128x64xf32, #tpu.memory_space<vmem>> -> memref<1x128x64xf32, #tpu.memory_space<vmem>>
    %dma_wait3A_65 = tpu.memref_squeeze %dma_wait3A_64 : memref<1x128x64xf32, #tpu.memory_space<vmem>> -> memref<128x64xf32, #tpu.memory_space<vmem>>
    %dma_wait3A_66 = arith.constant 256 : i32
    %dma_wait3A_67 = tpu.memref_slice %arg5[%dma_wait3A_66] : memref<512xi32, #tpu.memory_space<vmem>> -> memref<128xi32, #tpu.memory_space<vmem>>
    %dma_wait3A_68 = arith.constant 0 : i32
    %dma_wait3A_69 = arith.constant 0 : i32
    %dma_wait3A_70 = tpu.memref_slice %arg2[%dma_wait3A_68, %dma_wait3A_69] : memref<1024x64xf32, #tpu.memory_space<hbm>> -> memref<1024x64xf32, #tpu.memory_space<hbm>>
    tpu.wait_indirect_dma semaphore(%arg7 : memref<!tpu.dma_semaphore, #tpu.memory_space<semaphore_mem>>) src(%dma_wait3A_70 : memref<1024x64xf32, #tpu.memory_space<hbm>>) dst(%dma_wait3A_65 : memref<128x64xf32, #tpu.memory_space<vmem>>)
    %dma_wait3A_71 = arith.constant 3 : i32
    %dma_wait3A_72 = arith.constant 0 : i32
    %dma_wait3A_73 = arith.constant 0 : i32
    %dma_wait3A_74 = tpu.memref_slice %arg6[%dma_wait3A_71, %dma_wait3A_72, %dma_wait3A_73] : memref<4x128x64xf32, #tpu.memory_space<vmem>> -> memref<1x128x64xf32, #tpu.memory_space<vmem>>
    %dma_wait3A_75 = tpu.memref_squeeze %dma_wait3A_74 : memref<1x128x64xf32, #tpu.memory_space<vmem>> -> memref<128x64xf32, #tpu.memory_space<vmem>>
    %dma_wait3A_76 = arith.constant 384 : i32
    %dma_wait3A_77 = tpu.memref_slice %arg5[%dma_wait3A_76] : memref<512xi32, #tpu.memory_space<vmem>> -> memref<128xi32, #tpu.memory_space<vmem>>
    %dma_wait3A_78 = arith.constant 0 : i32
    %dma_wait3A_79 = arith.constant 0 : i32
    %dma_wait3A_80 = tpu.memref_slice %arg2[%dma_wait3A_78, %dma_wait3A_79] : memref<1024x64xf32, #tpu.memory_space<hbm>> -> memref<1024x64xf32, #tpu.memory_space<hbm>>
    tpu.wait_indirect_dma semaphore(%arg7 : memref<!tpu.dma_semaphore, #tpu.memory_space<semaphore_mem>>) src(%dma_wait3A_80 : memref<1024x64xf32, #tpu.memory_space<hbm>>) dst(%dma_wait3A_75 : memref<128x64xf32, #tpu.memory_space<vmem>>)
    %add3A_81 = arith.constant 0 : i32
    %add3A_82 = arith.addi %mul3A_2, %add3A_81 : i32
    %run_scoped3A = arith.constant 0 : i32
    "tpu.region"() ({
      %run_scoped3A_92 = tpu.sem_alloc : memref<!tpu.dma_semaphore, #tpu.memory_space<semaphore_mem>>
      %dma_start3A_93 = arith.constant 0 : i32
      %dma_start3A_94 = arith.constant 0 : i32
      %dma_start3A_95 = tpu.memref_slice %arg6[%run_scoped3A, %dma_start3A_93, %dma_start3A_94] : memref<4x128x64xf32, #tpu.memory_space<vmem>> -> memref<1x128x64xf32, #tpu.memory_space<vmem>>
      %dma_start3A_96 = tpu.memref_squeeze %dma_start3A_95 : memref<1x128x64xf32, #tpu.memory_space<vmem>> -> memref<128x64xf32, #tpu.memory_space<vmem>>
      %dma_start3A_97 = arith.constant 0 : i32
      %dma_start3A_98 = tpu.memref_slice %arg4[%add3A_82, %dma_start3A_97] : memref<16384x64xf32, #tpu.memory_space<hbm>> -> memref<128x64xf32, #tpu.memory_space<hbm>>
      %dma_start3A_99 = arith.constant 0 : i32
      %dma_start3A_100 = tpu.memref_slice %arg4[%add3A_82, %dma_start3A_99] : memref<16384x64xf32, #tpu.memory_space<hbm>> -> memref<128x64xf32, #tpu.memory_space<hbm>>
      %dma_start3A_101 = arith.constant 0 : i32
      %dma_start3A_102 = arith.constant 0 : i32
      %dma_start3A_103 = tpu.memref_slice %arg6[%run_scoped3A, %dma_start3A_101, %dma_start3A_102] : memref<4x128x64xf32, #tpu.memory_space<vmem>> -> memref<1x128x64xf32, #tpu.memory_space<vmem>>
      %dma_start3A_104 = tpu.memref_squeeze %dma_start3A_103 : memref<1x128x64xf32, #tpu.memory_space<vmem>> -> memref<128x64xf32, #tpu.memory_space<vmem>>
      tpu.enqueue_dma source(%dma_start3A_104 : memref<128x64xf32, #tpu.memory_space<vmem>>) target(%dma_start3A_100 : memref<128x64xf32, #tpu.memory_space<hbm>>) target_semaphore(%run_scoped3A_92 : memref<!tpu.dma_semaphore, #tpu.memory_space<semaphore_mem>>)
      %dma_wait3A_105 = arith.constant 0 : i32
      %dma_wait3A_106 = arith.constant 0 : i32
      %dma_wait3A_107 = tpu.memref_slice %arg6[%run_scoped3A, %dma_wait3A_105, %dma_wait3A_106] : memref<4x128x64xf32, #tpu.memory_space<vmem>> -> memref<1x128x64xf32, #tpu.memory_space<vmem>>
      %dma_wait3A_108 = tpu.memref_squeeze %dma_wait3A_107 : memref<1x128x64xf32, #tpu.memory_space<vmem>> -> memref<128x64xf32, #tpu.memory_space<vmem>>
      %dma_wait3A_109 = arith.constant 0 : i32
      %dma_wait3A_110 = tpu.memref_slice %arg4[%add3A_82, %dma_wait3A_109] : memref<16384x64xf32, #tpu.memory_space<hbm>> -> memref<128x64xf32, #tpu.memory_space<hbm>>
      %dma_wait3A_111 = arith.constant 0 : i32
      %dma_wait3A_112 = tpu.memref_slice %arg4[%add3A_82, %dma_wait3A_111] : memref<16384x64xf32, #tpu.memory_space<hbm>> -> memref<128x64xf32, #tpu.memory_space<hbm>>
      %dma_wait3A_113 = arith.constant 0 : i32
      %dma_wait3A_114 = arith.constant 0 : i32
      %dma_wait3A_115 = tpu.memref_slice %arg6[%run_scoped3A, %dma_wait3A_113, %dma_wait3A_114] : memref<4x128x64xf32, #tpu.memory_space<vmem>> -> memref<1x128x64xf32, #tpu.memory_space<vmem>>
      %dma_wait3A_116 = tpu.memref_squeeze %dma_wait3A_115 : memref<1x128x64xf32, #tpu.memory_space<vmem>> -> memref<128x64xf32, #tpu.memory_space<vmem>>
      tpu.wait_dma2 semaphore(%run_scoped3A_92 : memref<!tpu.dma_semaphore, #tpu.memory_space<semaphore_mem>>) src(%dma_wait3A_116 : memref<128x64xf32, #tpu.memory_space<vmem>>) dst(%dma_wait3A_112 : memref<128x64xf32, #tpu.memory_space<hbm>>)
      tpu.yield
    }) : () -> ()
    %add3A_83 = arith.constant 128 : i32
    %add3A_84 = arith.addi %mul3A_2, %add3A_83 : i32
    %run_scoped3A_85 = arith.constant 1 : i32
    "tpu.region"() ({
      %run_scoped3A_92 = tpu.sem_alloc : memref<!tpu.dma_semaphore, #tpu.memory_space<semaphore_mem>>
      %dma_start3A_93 = arith.constant 0 : i32
      %dma_start3A_94 = arith.constant 0 : i32
      %dma_start3A_95 = tpu.memref_slice %arg6[%run_scoped3A_85, %dma_start3A_93, %dma_start3A_94] : memref<4x128x64xf32, #tpu.memory_space<vmem>> -> memref<1x128x64xf32, #tpu.memory_space<vmem>>
      %dma_start3A_96 = tpu.memref_squeeze %dma_start3A_95 : memref<1x128x64xf32, #tpu.memory_space<vmem>> -> memref<128x64xf32, #tpu.memory_space<vmem>>
      %dma_start3A_97 = arith.constant 0 : i32
      %dma_start3A_98 = tpu.memref_slice %arg4[%add3A_84, %dma_start3A_97] : memref<16384x64xf32, #tpu.memory_space<hbm>> -> memref<128x64xf32, #tpu.memory_space<hbm>>
      %dma_start3A_99 = arith.constant 0 : i32
      %dma_start3A_100 = tpu.memref_slice %arg4[%add3A_84, %dma_start3A_99] : memref<16384x64xf32, #tpu.memory_space<hbm>> -> memref<128x64xf32, #tpu.memory_space<hbm>>
      %dma_start3A_101 = arith.constant 0 : i32
      %dma_start3A_102 = arith.constant 0 : i32
      %dma_start3A_103 = tpu.memref_slice %arg6[%run_scoped3A_85, %dma_start3A_101, %dma_start3A_102] : memref<4x128x64xf32, #tpu.memory_space<vmem>> -> memref<1x128x64xf32, #tpu.memory_space<vmem>>
      %dma_start3A_104 = tpu.memref_squeeze %dma_start3A_103 : memref<1x128x64xf32, #tpu.memory_space<vmem>> -> memref<128x64xf32, #tpu.memory_space<vmem>>
      tpu.enqueue_dma source(%dma_start3A_104 : memref<128x64xf32, #tpu.memory_space<vmem>>) target(%dma_start3A_100 : memref<128x64xf32, #tpu.memory_space<hbm>>) target_semaphore(%run_scoped3A_92 : memref<!tpu.dma_semaphore, #tpu.memory_space<semaphore_mem>>)
      %dma_wait3A_105 = arith.constant 0 : i32
      %dma_wait3A_106 = arith.constant 0 : i32
      %dma_wait3A_107 = tpu.memref_slice %arg6[%run_scoped3A_85, %dma_wait3A_105, %dma_wait3A_106] : memref<4x128x64xf32, #tpu.memory_space<vmem>> -> memref<1x128x64xf32, #tpu.memory_space<vmem>>
      %dma_wait3A_108 = tpu.memref_squeeze %dma_wait3A_107 : memref<1x128x64xf32, #tpu.memory_space<vmem>> -> memref<128x64xf32, #tpu.memory_space<vmem>>
      %dma_wait3A_109 = arith.constant 0 : i32
      %dma_wait3A_110 = tpu.memref_slice %arg4[%add3A_84, %dma_wait3A_109] : memref<16384x64xf32, #tpu.memory_space<hbm>> -> memref<128x64xf32, #tpu.memory_space<hbm>>
      %dma_wait3A_111 = arith.constant 0 : i32
      %dma_wait3A_112 = tpu.memref_slice %arg4[%add3A_84, %dma_wait3A_111] : memref<16384x64xf32, #tpu.memory_space<hbm>> -> memref<128x64xf32, #tpu.memory_space<hbm>>
      %dma_wait3A_113 = arith.constant 0 : i32
      %dma_wait3A_114 = arith.constant 0 : i32
      %dma_wait3A_115 = tpu.memref_slice %arg6[%run_scoped3A_85, %dma_wait3A_113, %dma_wait3A_114] : memref<4x128x64xf32, #tpu.memory_space<vmem>> -> memref<1x128x64xf32, #tpu.memory_space<vmem>>
      %dma_wait3A_116 = tpu.memref_squeeze %dma_wait3A_115 : memref<1x128x64xf32, #tpu.memory_space<vmem>> -> memref<128x64xf32, #tpu.memory_space<vmem>>
      tpu.wait_dma2 semaphore(%run_scoped3A_92 : memref<!tpu.dma_semaphore, #tpu.memory_space<semaphore_mem>>) src(%dma_wait3A_116 : memref<128x64xf32, #tpu.memory_space<vmem>>) dst(%dma_wait3A_112 : memref<128x64xf32, #tpu.memory_space<hbm>>)
      tpu.yield
    }) : () -> ()
    %add3A_86 = arith.constant 256 : i32
    %add3A_87 = arith.addi %mul3A_2, %add3A_86 : i32
    %run_scoped3A_88 = arith.constant 2 : i32
    "tpu.region"() ({
      %run_scoped3A_92 = tpu.sem_alloc : memref<!tpu.dma_semaphore, #tpu.memory_space<semaphore_mem>>
      %dma_start3A_93 = arith.constant 0 : i32
      %dma_start3A_94 = arith.constant 0 : i32
      %dma_start3A_95 = tpu.memref_slice %arg6[%run_scoped3A_88, %dma_start3A_93, %dma_start3A_94] : memref<4x128x64xf32, #tpu.memory_space<vmem>> -> memref<1x128x64xf32, #tpu.memory_space<vmem>>
      %dma_start3A_96 = tpu.memref_squeeze %dma_start3A_95 : memref<1x128x64xf32, #tpu.memory_space<vmem>> -> memref<128x64xf32, #tpu.memory_space<vmem>>
      %dma_start3A_97 = arith.constant 0 : i32
      %dma_start3A_98 = tpu.memref_slice %arg4[%add3A_87, %dma_start3A_97] : memref<16384x64xf32, #tpu.memory_space<hbm>> -> memref<128x64xf32, #tpu.memory_space<hbm>>
      %dma_start3A_99 = arith.constant 0 : i32
      %dma_start3A_100 = tpu.memref_slice %arg4[%add3A_87, %dma_start3A_99] : memref<16384x64xf32, #tpu.memory_space<hbm>> -> memref<128x64xf32, #tpu.memory_space<hbm>>
      %dma_start3A_101 = arith.constant 0 : i32
      %dma_start3A_102 = arith.constant 0 : i32
      %dma_start3A_103 = tpu.memref_slice %arg6[%run_scoped3A_88, %dma_start3A_101, %dma_start3A_102] : memref<4x128x64xf32, #tpu.memory_space<vmem>> -> memref<1x128x64xf32, #tpu.memory_space<vmem>>
      %dma_start3A_104 = tpu.memref_squeeze %dma_start3A_103 : memref<1x128x64xf32, #tpu.memory_space<vmem>> -> memref<128x64xf32, #tpu.memory_space<vmem>>
      tpu.enqueue_dma source(%dma_start3A_104 : memref<128x64xf32, #tpu.memory_space<vmem>>) target(%dma_start3A_100 : memref<128x64xf32, #tpu.memory_space<hbm>>) target_semaphore(%run_scoped3A_92 : memref<!tpu.dma_semaphore, #tpu.memory_space<semaphore_mem>>)
      %dma_wait3A_105 = arith.constant 0 : i32
      %dma_wait3A_106 = arith.constant 0 : i32
      %dma_wait3A_107 = tpu.memref_slice %arg6[%run_scoped3A_88, %dma_wait3A_105, %dma_wait3A_106] : memref<4x128x64xf32, #tpu.memory_space<vmem>> -> memref<1x128x64xf32, #tpu.memory_space<vmem>>
      %dma_wait3A_108 = tpu.memref_squeeze %dma_wait3A_107 : memref<1x128x64xf32, #tpu.memory_space<vmem>> -> memref<128x64xf32, #tpu.memory_space<vmem>>
      %dma_wait3A_109 = arith.constant 0 : i32
      %dma_wait3A_110 = tpu.memref_slice %arg4[%add3A_87, %dma_wait3A_109] : memref<16384x64xf32, #tpu.memory_space<hbm>> -> memref<128x64xf32, #tpu.memory_space<hbm>>
      %dma_wait3A_111 = arith.constant 0 : i32
      %dma_wait3A_112 = tpu.memref_slice %arg4[%add3A_87, %dma_wait3A_111] : memref<16384x64xf32, #tpu.memory_space<hbm>> -> memref<128x64xf32, #tpu.memory_space<hbm>>
      %dma_wait3A_113 = arith.constant 0 : i32
      %dma_wait3A_114 = arith.constant 0 : i32
      %dma_wait3A_115 = tpu.memref_slice %arg6[%run_scoped3A_88, %dma_wait3A_113, %dma_wait3A_114] : memref<4x128x64xf32, #tpu.memory_space<vmem>> -> memref<1x128x64xf32, #tpu.memory_space<vmem>>
      %dma_wait3A_116 = tpu.memref_squeeze %dma_wait3A_115 : memref<1x128x64xf32, #tpu.memory_space<vmem>> -> memref<128x64xf32, #tpu.memory_space<vmem>>
      tpu.wait_dma2 semaphore(%run_scoped3A_92 : memref<!tpu.dma_semaphore, #tpu.memory_space<semaphore_mem>>) src(%dma_wait3A_116 : memref<128x64xf32, #tpu.memory_space<vmem>>) dst(%dma_wait3A_112 : memref<128x64xf32, #tpu.memory_space<hbm>>)
      tpu.yield
    }) : () -> ()
    %add3A_89 = arith.constant 384 : i32
    %add3A_90 = arith.addi %mul3A_2, %add3A_89 : i32
    %run_scoped3A_91 = arith.constant 3 : i32
    "tpu.region"() ({
      %run_scoped3A_92 = tpu.sem_alloc : memref<!tpu.dma_semaphore, #tpu.memory_space<semaphore_mem>>
      %dma_start3A_93 = arith.constant 0 : i32
      %dma_start3A_94 = arith.constant 0 : i32
      %dma_start3A_95 = tpu.memref_slice %arg6[%run_scoped3A_91, %dma_start3A_93, %dma_start3A_94] : memref<4x128x64xf32, #tpu.memory_space<vmem>> -> memref<1x128x64xf32, #tpu.memory_space<vmem>>
      %dma_start3A_96 = tpu.memref_squeeze %dma_start3A_95 : memref<1x128x64xf32, #tpu.memory_space<vmem>> -> memref<128x64xf32, #tpu.memory_space<vmem>>
      %dma_start3A_97 = arith.constant 0 : i32
      %dma_start3A_98 = tpu.memref_slice %arg4[%add3A_90, %dma_start3A_97] : memref<16384x64xf32, #tpu.memory_space<hbm>> -> memref<128x64xf32, #tpu.memory_space<hbm>>
      %dma_start3A_99 = arith.constant 0 : i32
      %dma_start3A_100 = tpu.memref_slice %arg4[%add3A_90, %dma_start3A_99] : memref<16384x64xf32, #tpu.memory_space<hbm>> -> memref<128x64xf32, #tpu.memory_space<hbm>>
      %dma_start3A_101 = arith.constant 0 : i32
      %dma_start3A_102 = arith.constant 0 : i32
      %dma_start3A_103 = tpu.memref_slice %arg6[%run_scoped3A_91, %dma_start3A_101, %dma_start3A_102] : memref<4x128x64xf32, #tpu.memory_space<vmem>> -> memref<1x128x64xf32, #tpu.memory_space<vmem>>
      %dma_start3A_104 = tpu.memref_squeeze %dma_start3A_103 : memref<1x128x64xf32, #tpu.memory_space<vmem>> -> memref<128x64xf32, #tpu.memory_space<vmem>>
      tpu.enqueue_dma source(%dma_start3A_104 : memref<128x64xf32, #tpu.memory_space<vmem>>) target(%dma_start3A_100 : memref<128x64xf32, #tpu.memory_space<hbm>>) target_semaphore(%run_scoped3A_92 : memref<!tpu.dma_semaphore, #tpu.memory_space<semaphore_mem>>)
      %dma_wait3A_105 = arith.constant 0 : i32
      %dma_wait3A_106 = arith.constant 0 : i32
      %dma_wait3A_107 = tpu.memref_slice %arg6[%run_scoped3A_91, %dma_wait3A_105, %dma_wait3A_106] : memref<4x128x64xf32, #tpu.memory_space<vmem>> -> memref<1x128x64xf32, #tpu.memory_space<vmem>>
      %dma_wait3A_108 = tpu.memref_squeeze %dma_wait3A_107 : memref<1x128x64xf32, #tpu.memory_space<vmem>> -> memref<128x64xf32, #tpu.memory_space<vmem>>
      %dma_wait3A_109 = arith.constant 0 : i32
      %dma_wait3A_110 = tpu.memref_slice %arg4[%add3A_90, %dma_wait3A_109] : memref<16384x64xf32, #tpu.memory_space<hbm>> -> memref<128x64xf32, #tpu.memory_space<hbm>>
      %dma_wait3A_111 = arith.constant 0 : i32
      %dma_wait3A_112 = tpu.memref_slice %arg4[%add3A_90, %dma_wait3A_111] : memref<16384x64xf32, #tpu.memory_space<hbm>> -> memref<128x64xf32, #tpu.memory_space<hbm>>
      %dma_wait3A_113 = arith.constant 0 : i32
      %dma_wait3A_114 = arith.constant 0 : i32
      %dma_wait3A_115 = tpu.memref_slice %arg6[%run_scoped3A_91, %dma_wait3A_113, %dma_wait3A_114] : memref<4x128x64xf32, #tpu.memory_space<vmem>> -> memref<1x128x64xf32, #tpu.memory_space<vmem>>
      %dma_wait3A_116 = tpu.memref_squeeze %dma_wait3A_115 : memref<1x128x64xf32, #tpu.memory_space<vmem>> -> memref<128x64xf32, #tpu.memory_space<vmem>>
      tpu.wait_dma2 semaphore(%run_scoped3A_92 : memref<!tpu.dma_semaphore, #tpu.memory_space<semaphore_mem>>) src(%dma_wait3A_116 : memref<128x64xf32, #tpu.memory_space<vmem>>) dst(%dma_wait3A_112 : memref<128x64xf32, #tpu.memory_space<hbm>>)
      tpu.yield
    }) : () -> ()
    return
  }
}

module attributes {stable_mosaic.version = 14 : i64} {
  func.func @_argmin_body(%arg0: i32, %arg1: memref<4096x64xf32, #tpu.memory_space<vmem>>, %arg2: memref<1024x64xf32, #tpu.memory_space<vmem>>, %arg3: memref<4096xi32, #tpu.memory_space<vmem>>) attributes {dimension_semantics = [#tpu.dimension_semantics<arbitrary>], iteration_bounds = array<i64: 4>, scalar_prefetch = 0 : i64, scratch_operands = 0 : i64, tpu.core_type = #tpu.core_type<tc>, window_params = [{transform_indices = @transform_0, window_bounds = array<i64: 4096, 64>}, {pipeline_mode = #tpu.pipeline_mode<synchronous>, transform_indices = @transform_1, window_bounds = array<i64: 1024, 64>}, {transform_indices = @transform_2, window_bounds = array<i64: 4096>}]} {
    %get3A = arith.constant 0 : index
    %get3A_0 = arith.constant 0 : index
    %get3A_1 = vector.load %arg1[%get3A, %get3A_0] : memref<4096x64xf32, #tpu.memory_space<vmem>>, vector<4096x64xf32>
    %get3A_2 = arith.constant 0 : index
    %get3A_3 = arith.constant 0 : index
    %get3A_4 = vector.load %arg2[%get3A_2, %get3A_3] : memref<1024x64xf32, #tpu.memory_space<vmem>>, vector<1024x64xf32>
    %mul3A = arith.mulf %get3A_1, %get3A_1 : vector<4096x64xf32>
    %slice3A = vector.extract_strided_slice %mul3A {offsets = [0, 0], sizes = [4096, 8], strides = [1, 1]} : vector<4096x64xf32> to vector<4096x8xf32>
    %slice3A_5 = vector.extract_strided_slice %mul3A {offsets = [0, 8], sizes = [4096, 8], strides = [1, 1]} : vector<4096x64xf32> to vector<4096x8xf32>
    %add3A = arith.addf %slice3A, %slice3A_5 : vector<4096x8xf32>
    %slice3A_6 = vector.extract_strided_slice %mul3A {offsets = [0, 16], sizes = [4096, 8], strides = [1, 1]} : vector<4096x64xf32> to vector<4096x8xf32>
    %add3A_7 = arith.addf %add3A, %slice3A_6 : vector<4096x8xf32>
    %slice3A_8 = vector.extract_strided_slice %mul3A {offsets = [0, 24], sizes = [4096, 8], strides = [1, 1]} : vector<4096x64xf32> to vector<4096x8xf32>
    %add3A_9 = arith.addf %add3A_7, %slice3A_8 : vector<4096x8xf32>
    %slice3A_10 = vector.extract_strided_slice %mul3A {offsets = [0, 32], sizes = [4096, 8], strides = [1, 1]} : vector<4096x64xf32> to vector<4096x8xf32>
    %add3A_11 = arith.addf %add3A_9, %slice3A_10 : vector<4096x8xf32>
    %slice3A_12 = vector.extract_strided_slice %mul3A {offsets = [0, 40], sizes = [4096, 8], strides = [1, 1]} : vector<4096x64xf32> to vector<4096x8xf32>
    %add3A_13 = arith.addf %add3A_11, %slice3A_12 : vector<4096x8xf32>
    %slice3A_14 = vector.extract_strided_slice %mul3A {offsets = [0, 48], sizes = [4096, 8], strides = [1, 1]} : vector<4096x64xf32> to vector<4096x8xf32>
    %add3A_15 = arith.addf %add3A_13, %slice3A_14 : vector<4096x8xf32>
    %slice3A_16 = vector.extract_strided_slice %mul3A {offsets = [0, 56], sizes = [4096, 8], strides = [1, 1]} : vector<4096x64xf32> to vector<4096x8xf32>
    %add3A_17 = arith.addf %add3A_15, %slice3A_16 : vector<4096x8xf32>
    %slice3A_18 = vector.extract_strided_slice %add3A_17 {offsets = [0, 4], sizes = [4096, 4], strides = [1, 1]} : vector<4096x8xf32> to vector<4096x4xf32>
    %slice3A_19 = vector.extract_strided_slice %add3A_17 {offsets = [0, 0], sizes = [4096, 4], strides = [1, 1]} : vector<4096x8xf32> to vector<4096x4xf32>
    %add3A_20 = arith.addf %slice3A_18, %slice3A_19 : vector<4096x4xf32>
    %slice3A_21 = vector.extract_strided_slice %add3A_20 {offsets = [0, 2], sizes = [4096, 2], strides = [1, 1]} : vector<4096x4xf32> to vector<4096x2xf32>
    %slice3A_22 = vector.extract_strided_slice %add3A_20 {offsets = [0, 0], sizes = [4096, 2], strides = [1, 1]} : vector<4096x4xf32> to vector<4096x2xf32>
    %add3A_23 = arith.addf %slice3A_21, %slice3A_22 : vector<4096x2xf32>
    %slice3A_24 = vector.extract_strided_slice %add3A_23 {offsets = [0, 1], sizes = [4096, 1], strides = [1, 1]} : vector<4096x2xf32> to vector<4096x1xf32>
    %slice3A_25 = vector.extract_strided_slice %add3A_23 {offsets = [0, 0], sizes = [4096, 1], strides = [1, 1]} : vector<4096x2xf32> to vector<4096x1xf32>
    %add3A_26 = arith.addf %slice3A_24, %slice3A_25 : vector<4096x1xf32>
    %mul3A_27 = arith.mulf %get3A_4, %get3A_4 : vector<1024x64xf32>
    %reduce_sum3A = arith.constant dense<0.000000e+00> : vector<1024xf32>
    %reduce_sum3A_28 = vector.multi_reduction <add>, %mul3A_27, %reduce_sum3A [1] : vector<1024x64xf32> to vector<1024xf32>
    %broadcast_in_dim3A = vector.shape_cast %reduce_sum3A_28 : vector<1024xf32> to vector<1x1024xf32>
    %add3A_29 = arith.addf %get3A_1, %get3A_1 : vector<4096x64xf32>
    %dot_general3A = arith.constant dense<0.000000e+00> : vector<4096x1024xf32>
    %dot_general3A_30 = tpu.matmul %add3A_29, %get3A_4, %dot_general3A {dimension_numbers = #tpu.dot_dimension_numbers<[1], [1], [0], [0], [0, 0, 1, 0], [], []>, transpose_lhs_hint = false} : vector<4096x64xf32>, vector<1024x64xf32>, vector<4096x1024xf32> -> vector<4096x1024xf32>
    %add3A_31 = vector.broadcast %add3A_26 : vector<4096x1xf32> to vector<4096x1024xf32>
    %add3A_32 = vector.broadcast %broadcast_in_dim3A : vector<1x1024xf32> to vector<4096x1024xf32>
    %add3A_33 = arith.addf %add3A_31, %add3A_32 : vector<4096x1024xf32>
    %sub3A = arith.subf %add3A_33, %dot_general3A_30 : vector<4096x1024xf32>
    %max3A = arith.constant 0.000000e+00 : f32
    %max3A_34 = vector.broadcast %max3A : f32 to vector<4096x1024xf32>
    %max3A_35 = arith.maximumf %sub3A, %max3A_34 : vector<4096x1024xf32>
    %sqrt3A = math.sqrt %max3A_35 : vector<4096x1024xf32>
    %iota3A = tpu.iota {dimensions = array<i32: 1>} : vector<4096x128xi32>
    %slice3A_36 = vector.extract_strided_slice %sqrt3A {offsets = [0, 0], sizes = [4096, 128], strides = [1, 1]} : vector<4096x1024xf32> to vector<4096x128xf32>
    %slice3A_37 = vector.extract_strided_slice %sqrt3A {offsets = [0, 128], sizes = [4096, 128], strides = [1, 1]} : vector<4096x1024xf32> to vector<4096x128xf32>
    %lt3A = arith.cmpf olt, %slice3A_37, %slice3A_36 : vector<4096x128xf32>
    %min3A = arith.minimumf %slice3A_36, %slice3A_37 : vector<4096x128xf32>
    %add3A_38 = arith.constant 128 : i32
    %add3A_39 = vector.broadcast %add3A_38 : i32 to vector<4096x128xi32>
    %add3A_40 = arith.addi %iota3A, %add3A_39 : vector<4096x128xi32>
    %select_n3A = arith.select %lt3A, %add3A_40, %iota3A : vector<4096x128xi1>, vector<4096x128xi32>
    %slice3A_41 = vector.extract_strided_slice %sqrt3A {offsets = [0, 256], sizes = [4096, 128], strides = [1, 1]} : vector<4096x1024xf32> to vector<4096x128xf32>
    %lt3A_42 = arith.cmpf olt, %slice3A_41, %min3A : vector<4096x128xf32>
    %min3A_43 = arith.minimumf %min3A, %slice3A_41 : vector<4096x128xf32>
    %add3A_44 = arith.constant 256 : i32
    %add3A_45 = vector.broadcast %add3A_44 : i32 to vector<4096x128xi32>
    %add3A_46 = arith.addi %iota3A, %add3A_45 : vector<4096x128xi32>
    %select_n3A_47 = arith.select %lt3A_42, %add3A_46, %select_n3A : vector<4096x128xi1>, vector<4096x128xi32>
    %slice3A_48 = vector.extract_strided_slice %sqrt3A {offsets = [0, 384], sizes = [4096, 128], strides = [1, 1]} : vector<4096x1024xf32> to vector<4096x128xf32>
    %lt3A_49 = arith.cmpf olt, %slice3A_48, %min3A_43 : vector<4096x128xf32>
    %min3A_50 = arith.minimumf %min3A_43, %slice3A_48 : vector<4096x128xf32>
    %add3A_51 = arith.constant 384 : i32
    %add3A_52 = vector.broadcast %add3A_51 : i32 to vector<4096x128xi32>
    %add3A_53 = arith.addi %iota3A, %add3A_52 : vector<4096x128xi32>
    %select_n3A_54 = arith.select %lt3A_49, %add3A_53, %select_n3A_47 : vector<4096x128xi1>, vector<4096x128xi32>
    %slice3A_55 = vector.extract_strided_slice %sqrt3A {offsets = [0, 512], sizes = [4096, 128], strides = [1, 1]} : vector<4096x1024xf32> to vector<4096x128xf32>
    %lt3A_56 = arith.cmpf olt, %slice3A_55, %min3A_50 : vector<4096x128xf32>
    %min3A_57 = arith.minimumf %min3A_50, %slice3A_55 : vector<4096x128xf32>
    %add3A_58 = arith.constant 512 : i32
    %add3A_59 = vector.broadcast %add3A_58 : i32 to vector<4096x128xi32>
    %add3A_60 = arith.addi %iota3A, %add3A_59 : vector<4096x128xi32>
    %select_n3A_61 = arith.select %lt3A_56, %add3A_60, %select_n3A_54 : vector<4096x128xi1>, vector<4096x128xi32>
    %slice3A_62 = vector.extract_strided_slice %sqrt3A {offsets = [0, 640], sizes = [4096, 128], strides = [1, 1]} : vector<4096x1024xf32> to vector<4096x128xf32>
    %lt3A_63 = arith.cmpf olt, %slice3A_62, %min3A_57 : vector<4096x128xf32>
    %min3A_64 = arith.minimumf %min3A_57, %slice3A_62 : vector<4096x128xf32>
    %add3A_65 = arith.constant 640 : i32
    %add3A_66 = vector.broadcast %add3A_65 : i32 to vector<4096x128xi32>
    %add3A_67 = arith.addi %iota3A, %add3A_66 : vector<4096x128xi32>
    %select_n3A_68 = arith.select %lt3A_63, %add3A_67, %select_n3A_61 : vector<4096x128xi1>, vector<4096x128xi32>
    %slice3A_69 = vector.extract_strided_slice %sqrt3A {offsets = [0, 768], sizes = [4096, 128], strides = [1, 1]} : vector<4096x1024xf32> to vector<4096x128xf32>
    %lt3A_70 = arith.cmpf olt, %slice3A_69, %min3A_64 : vector<4096x128xf32>
    %min3A_71 = arith.minimumf %min3A_64, %slice3A_69 : vector<4096x128xf32>
    %add3A_72 = arith.constant 768 : i32
    %add3A_73 = vector.broadcast %add3A_72 : i32 to vector<4096x128xi32>
    %add3A_74 = arith.addi %iota3A, %add3A_73 : vector<4096x128xi32>
    %select_n3A_75 = arith.select %lt3A_70, %add3A_74, %select_n3A_68 : vector<4096x128xi1>, vector<4096x128xi32>
    %slice3A_76 = vector.extract_strided_slice %sqrt3A {offsets = [0, 896], sizes = [4096, 128], strides = [1, 1]} : vector<4096x1024xf32> to vector<4096x128xf32>
    %lt3A_77 = arith.cmpf olt, %slice3A_76, %min3A_71 : vector<4096x128xf32>
    %min3A_78 = arith.minimumf %min3A_71, %slice3A_76 : vector<4096x128xf32>
    %add3A_79 = arith.constant 896 : i32
    %add3A_80 = vector.broadcast %add3A_79 : i32 to vector<4096x128xi32>
    %add3A_81 = arith.addi %iota3A, %add3A_80 : vector<4096x128xi32>
    %select_n3A_82 = arith.select %lt3A_77, %add3A_81, %select_n3A_75 : vector<4096x128xi1>, vector<4096x128xi32>
    %reduce_min3A = arith.constant dense<0x7F800000> : vector<4096xf32>
    %reduce_min3A_83 = vector.multi_reduction <minimumf>, %min3A_78, %reduce_min3A [1] : vector<4096x128xf32> to vector<4096xf32>
    %broadcast_in_dim3A_84 = vector.shape_cast %reduce_min3A_83 : vector<4096xf32> to vector<4096x1xf32>
    %eq3A = vector.broadcast %broadcast_in_dim3A_84 : vector<4096x1xf32> to vector<4096x128xf32>
    %eq3A_85 = arith.cmpf oeq, %min3A_78, %eq3A : vector<4096x128xf32>
    %jit3A = arith.constant 1073741824 : i32
    %broadcast_in_dim3A_86 = vector.broadcast %jit3A : i32 to vector<4096x128xi32>
    %select_n3A_87 = arith.select %eq3A_85, %select_n3A_82, %broadcast_in_dim3A_86 : vector<4096x128xi1>, vector<4096x128xi32>
    %reduce_min3A_88 = arith.constant dense<2147483647> : vector<4096xi32>
    %reduce_min3A_89 = vector.multi_reduction <minsi>, %select_n3A_87, %reduce_min3A_88 [1] : vector<4096x128xi32> to vector<4096xi32>
    %swap3A = arith.constant 0 : index
    %swap3A_90 = vector.load %arg3[%swap3A] : memref<4096xi32, #tpu.memory_space<vmem>>, vector<4096xi32>
    tpu.vector_store %arg3[%swap3A], %reduce_min3A_89 {strides = array<i32>} : memref<4096xi32, #tpu.memory_space<vmem>>, vector<4096xi32>,
    return
  }
  func.func @transform_0(%arg0: i32) -> (i32, i32) {
    %c0_i32 = arith.constant 0 : i32
    %c0_i32_0 = arith.constant 0 : i32
    return %arg0, %c0_i32 : i32, i32
  }
  func.func @transform_1(%arg0: i32) -> (i32, i32) {
    %c0_i32 = arith.constant 0 : i32
    %c0_i32_0 = arith.constant 0 : i32
    %c0_i32_1 = arith.constant 0 : i32
    return %c0_i32, %c0_i32_0 : i32, i32
  }
  func.func @transform_2(%arg0: i32) -> i32 {
    %c0_i32 = arith.constant 0 : i32
    return %arg0 : i32
  }
}

</mosaic_0001>

<sc_bundles>
// kernel: kernel.4.cloned.1.call-start
scs
__scs_entry_jumppad:
0x0: {  	(pc) =	sbr.rel $0x88, $3  }
0x1: {  	(tag) =	ssettag $0x0;
	lr =	simm.s32 $0x1  }
0x2: {  	[smem:$0x3F9F] =	sst lr;
	_ =	strace $0xD0000000  }
0x3: {  	_ = 	snop  }
0x4: {  	_ = 	snop  }
0x5: {  	_ = 	snop  }
0x6: {  	_ = 	snop  }
0x7: {  	_ = 	snop  }
__scs_overlays_trampoline_lowered:
0x8: {  	[smem:$0x3FAE] =	sst s0  }
0x9: {  	[smem:$0x3FAF] =	sst s1  }
0xa: {  	[smem:$0x3FB0] =	sst s2  }
0xb: {  	[smem:$0x3FB1] =	sst s3  }
0xc: {  	[smem:$0x3FB2] =	sst s4  }
0xd: {  	[smem:$0x3FB3] =	sst s5  }
0xe: {  	[smem:$0x3FB4] =	sst s6  }
0xf: {  	[smem:$0x3FB5] =	sst s7  }
0x10: {  	[smem:$0x3FB6] =	sst s8  }
0x11: {  	[smem:$0x3FB7] =	sst s9;
	s0 =	simm.s32 @!p0 $0x0  }
0x12: {  	s1 =	sld [smem:$0x3F9D];
	s0 =	simm.s32 @p0 $0x1  }
0x13: {  	[smem:$0x3FB8] =	sst s0;
	s0 =	simm.s32 @!p1 $0x0  }
0x14: {  	s2 =	sld [smem:$0x3F9C];
	s0 =	simm.s32 @p1 $0x1  }
0x15: {  	[smem:$0x3FB9] =	sst s0;
	s0 =	simm.s32 @!p2 $0x0  }
0x16: {  	s3 =	sld [smem:$0x3FDB];
	s0 =	simm.s32 @p2 $0x1  }
0x17: {  	s4 =	simm.s32 $0x1BF5;
	[smem:$0x3FBB] =	sst s0  }
0x18: {  	s0 =	sld [smem:$0x3F9E];
	_ =	swait.ge [sflag:s4], $0x0  }
0x19: {  	s7 =	sld [smem:$0x3F9F]  }
0x1a: {  	s8 =	sadd.s32 $0xFFFFE003, lr  }
0x1b: {  	s9 =	sadd.s32 $0xFFFFFEF7, lr;
	s5 =	simm.s32 $0xFFFFFFFF;
	p2 =	slt.u32 s8, $0xFFFFF086  }
0x1c: {  	p1 =	slt.u32 s9, $0xF7A;
	s5 =	simm.s32 @!p2 $0x0  }
0x1d: {  	s5 =	simm.s32 @p1 $0x1;
	p0 =	seq.s32 s7, s2  }
0x1e: {  	s7 =	smul.u32 @!p0 $0xF7A, s2;
	p2 =	seq.s32 @!p0 s5, $0x0  }
0x1f: {  	s9 =	smul.u32 $0xF7A, s1;
	s8 =	simm.s32 @!p0 $0x1BF5;
	p2 =	por !p2, p0  }
0x20: {  	[sflag:s8] =	ssyncset.s32 @!p0 $0xFFFFF086;
	s6 =	sadd.s32 @!p0 s3, s7;
	s7 =	simm.s32 @!p0 $0x108  }
0x21: {  	s3 =	sadd.s32 s3, s9;
	s6 =	sadd.s32 @!p0 $0x88, s6;
	s7 =	simm.s32 @p2 $0x1082  }
0x22: {  	[simem:s7], [sflag:s8] =	dma.local @!p0 [hbm:s6], $0xF7A  }
0x23: {  	s9 =	sor.u32 $0xD0000000, s2;
	s6 =	simm.s32 $0x108;
	_ =	swait.ge @!p0 [sflag:s8], $0x0  }
0x24: {  	s3 =	sadd.s32 $0x88, s3;
	s6 =	simm.s32 @!p1 $0x1082;
	[sflag:s4] =	ssyncset.s32 $0xFFFFF086  }
0x25: {  	[simem:s6], [sflag:s4] =	dma.local [hbm:s3], $0xF7A  }
0x26: {  	[smem:$0x3F9F] =	sst s1;
	(tag) =	ssettag s2;
	_ =	strace s9  }
0x27: {  	s1 =	sld [smem:$0x3FAF]  }
0x28: {  	s2 =	sld [smem:$0x3FB0]  }
0x29: {  	s4 =	sld [smem:$0x3FB2]  }
0x2a: {  	p0 =	seq.s32 s5, $0x0;
	s5 =	sld [smem:$0x3FB3]  }
0x2b: {  	s6 =	sld [smem:$0x3FB4]  }
0x2c: {  	s7 =	sld [smem:$0x3FB5]  }
0x2d: {  	s3 =	simm.s32 $0x108;
	s8 =	sld [smem:$0x3FB6]  }
0x2e: {  	s3 =	simm.s32 @!p0 $0x1082;
	s9 =	sld [smem:$0x3FB7]  }
0x2f: {  	lr =	sadd.s32 s0, s3;
	s0 =	sld [smem:$0x3FAE]  }
0x30: {  	s3 =	sld [smem:$0x3FB1]  }
0x31: {  	[smem:$0x3FBA] =	sst s10  }
0x32: {  	s10 =	sld [smem:$0x3FB8];
	_ =	sdelay $0x3  }
0x33: {  	p0 =	seq.s32 s10, $0x1;
	s10 =	sld [smem:$0x3FBA];
	_ =	sdelay $0x3  }
0x34: {  	[smem:$0x3FBA] =	sst s10  }
0x35: {  	s10 =	sld [smem:$0x3FB9];
	_ =	sdelay $0x3  }
0x36: {  	p1 =	seq.s32 s10, $0x1;
	s10 =	sld [smem:$0x3FBA];
	_ =	sdelay $0x3  }
0x37: {  	[smem:$0x3FBA] =	sst s10  }
0x38: {  	s10 =	sld [smem:$0x3FBB]  }
0x39: {  	_ = 	snop;
	(pc) =	sbr.ind lr, $3  }
0x3a: {  	_ = 	snop  }
0x3b: {  	_ = 	snop  }
0x3c: {  	p2 =	seq.s32 s10, $0x1;
	s10 =	sld [smem:$0x3FBA]  }
0x3d: {  	_ =	shalt  }
0x3e: {  	_ =	shalt  }
0x3f: {  	_ =	shalt  }
0x40: {  	_ =	shalt  }
0x41: {  	_ =	shalt  }
0x42: {  	_ =	shalt  }
0x43: {  	_ =	shalt  }
0x44: {  	_ =	shalt  }
0x45: {  	_ =	shalt  }
0x46: {  	_ =	shalt  }
0x47: {  	_ =	shalt  }
0x48: {  	_ =	shalt  }
0x49: {  	_ =	shalt  }
0x4a: {  	_ =	shalt  }
0x4b: {  	_ =	shalt  }
0x4c: {  	_ =	shalt  }
0x4d: {  	_ =	shalt  }
0x4e: {  	_ =	shalt  }
0x4f: {  	_ =	shalt  }
0x50: {  	_ =	shalt  }
0x51: {  	_ =	shalt  }
0x52: {  	_ =	shalt  }
0x53: {  	_ =	shalt  }
0x54: {  	_ =	shalt  }
0x55: {  	_ =	shalt  }
0x56: {  	_ =	shalt  }
0x57: {  	_ =	shalt  }
0x58: {  	_ =	shalt  }
0x59: {  	_ =	shalt  }
0x5a: {  	_ =	shalt  }
0x5b: {  	_ =	shalt  }
0x5c: {  	_ =	shalt  }
0x5d: {  	_ =	shalt  }
0x5e: {  	_ =	shalt  }
0x5f: {  	_ =	shalt  }
0x60: {  	_ =	shalt  }
0x61: {  	_ =	shalt  }
0x62: {  	_ =	shalt  }
0x63: {  	_ =	shalt  }
0x64: {  	_ =	shalt  }
0x65: {  	_ =	shalt  }
0x66: {  	_ =	shalt  }
0x67: {  	_ =	shalt  }
0x68: {  	_ =	shalt  }
0x69: {  	_ =	shalt  }
0x6a: {  	_ =	shalt  }
0x6b: {  	_ =	shalt  }
0x6c: {  	_ =	shalt  }
0x6d: {  	_ =	shalt  }
0x6e: {  	_ =	shalt  }
0x6f: {  	_ =	shalt  }
0x70: {  	_ =	shalt  }
0x71: {  	_ =	shalt  }
0x72: {  	_ =	shalt  }
0x73: {  	_ =	shalt  }
0x74: {  	_ =	shalt  }
0x75: {  	_ =	shalt  }
0x76: {  	_ =	shalt  }
0x77: {  	_ =	shalt  }
0x78: {  	_ =	shalt  }
0x79: {  	_ =	shalt  }
0x7a: {  	_ =	shalt  }
0x7b: {  	_ =	shalt  }
0x7c: {  	_ =	shalt  }
0x7d: {  	_ =	shalt  }
0x7e: {  	_ =	shalt  }
0x7f: {  	_ =	shalt  }
0x80: {  	_ =	shalt  }
0x81: {  	_ =	shalt  }
0x82: {  	_ =	shalt  }
0x83: {  	_ =	shalt  }
0x84: {  	_ =	shalt  }
0x85: {  	_ =	shalt  }
0x86: {  	_ =	shalt  }
0x87: {  	_ =	shalt  }
.Lfunc_end0:
.L_simem_size_0:
called_computation_lowered:
.L_overlay_start_0:
0x88: {  	s2 =	sld [smem:$0x3FD9]  }
0x89: {  	s3 =	sld [smem:$0x3FFE];
	_ =	sdelay $0x1  }
0x8a: {  	s1 =	srdreg.scid  }
0x8b: {  	s0 =	sand.u32 $0x1, s1  }
0x8c: {  	s15 =	sshll.u32 s0, $0xA;
	s2 =	sadd.s32 s3, s2  }
0x8d: {  	s2 =	sadd.s32 s2, s15  }
0x8e: {  	[smem:$0x3FC6] =	sst s2  }
0x8f: {  	_ = 	snop  }
0x90: {  	s2 =	sld [smem:$0x3FD0];
	_ =	sdelay $0x2  }
0x91: {  	s16 =	simm.s32 $0xA;
	s4 =	simm.s32 $0x10  }
0x92: {  	[smem:s4], [sflag:s16] =	dma.local [hbm:s2], $0x1  }
0x93: {  	_ =	swait.eq [sflag:s16], $0x1  }
0x94: {  	s17 =	sld [smem:$0x11];
	[sflag:s16] =	ssyncset.done $0x0  }
0x95: {  	s18 =	sld [smem:$0x12];
	[sflag:s16] =	ssyncadd.s32 $0xFFFFFFFF  }
0x96: {  	s19 =	sld [smem:$0x13];
	(tm) =	ssettm $0x1  }
0x97: {  	s5 =	sld [smem:$0x3FFB];
	_ =	sdelay $0x3  }
0x98: {  	_ =	strace s5  }
0x99: {  	s5 =	sld [smem:$0x3FFC];
	_ =	sdelay $0x3  }
0x9a: {  	_ =	strace s5  }
0x9b: {  	s5 =	sld [smem:$0x3FFD];
	_ =	sdelay $0x3  }
0x9c: {  	_ =	strace s5  }
0x9d: {  	_ =	strace $0x8FFFFFFF  }
0x9e: {  	s20 =	sld [smem:$0x3FDB];
	_ =	sdelay $0x1  }
0x9f: {  	s6 =	simm.s32 $_scs_section_size  }
0xa0: {  	s7 =	simm.s32 $_size__tile_overlayer_lowered;
	s8 =	simm.s32 $_tile_overlayer_lowered  }
0xa1: {  	s23 =	simm.s32 $0x1BFF;
	s22 =	sshll.u32 s8, $0x1;
	s5 =	sadd.s32 s6, s20  }
0xa2: {  	s9 =	simm.s32 $0x0;
	s21 =	sshll.u32 s7, $0x1;
	s7 =	sadd.s32 s22, s5  }
0xa3: {  	[timem:s9], [sflag:s23] =	dma.local [hbm:s7], s21  }
0xa4: {  	_ =	swait.ge [sflag:s23], s21  }
0xa5: {  	s6 =	ssub.s32 $0x0, s21;
	[sflag:s23] =	ssyncset.done $0x0  }
0xa6: {  	[sflag:s23] =	ssyncadd.s32 s6;
	_ =	sdelay $0x1  }
0xa7: {  	s24 =	simm.s32 $0x1B8B  }
0xa8: {  	_ =	swait.ge [sflag:s24], $0x1  }
0xa9: {  	[sflag:s24] =	ssyncset.done $0x0  }
0xaa: {  	s25 =	simm.s32 $0x1B8E;
	[sflag:s24] =	ssyncadd.s32 $0xFFFFFFFF  }
0xab: {  	s26 =	simm.s32 $execute0_lowered;
	[smem:$0x3FD2] =	sst s25  }
0xac: {  	s6 =	sshll.u32 s26, $0x1;
	_ =	strace $0x80000046;
	[dreg:$0x1] =	wrdreg $0xFFFFFFFF  }
0xad: {  	s28 =	simm.s32 $_size_execute0_lowered;
	s5 =	sadd.s32 s5, s6;
	[dreg:$0x0] =	wrdreg $0x0  }
0xae: {  	s6 =	sshll.u32 s28, $0x1;
	[dreg:$0x2] =	wrdreg s5  }
0xaf: {  	[dreg:$0x3] =	wrdreg s6  }
0xb0: {  	[dreg:$0x4] =	wrdreg $0xC0  }
0xb1: {  	_ =	task [dreg:s9], $0x5FFFF  }
0xb2: {  	[dreg:$0x1] =	wrdreg $0xFFFFFFFF  }
0xb3: {  	[dreg:$0x0] =	wrdreg $0x60  }
0xb4: {  	[dreg:$0x2] =	wrdreg s17  }
0xb5: {  	[dreg:$0x3] =	wrdreg s19  }
0xb6: {  	[dreg:$0x4] =	wrdreg s18  }
0xb7: {  	[dreg:$0x5] =	wrdreg $0x9  }
0xb8: {  	_ =	task.clear_ibuf [dreg:s9], $0x6FFFF;
	_ =	strace $0x90000046  }
0xb9: {  	s29 =	simm.s32 $0x9;
	_ =	strace $0x80000048  }
0xba: {  	_ =	swait.ge [sflag:s29], $0x1  }
0xbb: {  	[sflag:s29] =	ssyncadd.s32 $0xFFFFFFFF  }
0xbc: {  	_ =	strace $0x90000048  }
0xbd: {  	_ =	sfence  }
0xbe: {  	s30 =	sld [smem:$0x0];
	_ =	sdelay $0x2  }
0xbf: {  	s31 =	sshll.u32 s1, $0xD;
	s1 =	sshrl.u32 s1, $0x2  }
0xc0: {  	s3 =	sand.u32 $0x4000, s31;
	s1 =	sadd.s32 s1, s30  }
0xc1: {  	s0 =	sor.u32 s3, s0;
	s1 =	sshll.u32 s1, $0x11  }
0xc2: {  	s0 =	sor.u32 s1, s0  }
0xc3: {  	s0 =	sadd.s32 $0x8F2B, s0  }
0xc4: {  	[sflag:s0] =	ssyncadd.remote.s32 $0x1  }
0xc5: {  	_ =	sfence.sel $0xFFFF  }
0xc6: {  	[dreg:$0x0] =	wrdreg $0xFFFFFFFF;
	(pc) =	sbr.abs _section_cstart, $3  }
0xc7: {  	[dreg:$0x1] =	wrdreg $0xFFFFFFFF  }
0xc8: {  	_ =	task.clear_ibuf [dreg:s9], $0x2FFFF;
	_ =	strace $0x9FFFFFFF  }
0xc9: {  	(tm) =	ssettm $0x7FFFFFFF  }
tec
execute0_lowered:
.L_overlay_start_1:
0x0: {  	(tag) =	ssettag $0x1  }
0x1: {  	s1 =	rddreg [dreg:$0x0];
	s2 =	srdreg.scid  }
0x2: {  	s4 =	rddreg [dreg:$0x1];
	s0 =	stileid.u32;
	s16 =	sand.u32 $0x1, s2  }
0x3: {  	s14 =	rddreg [dreg:$0x2];
	s5 =	sshll.u32 s0, $0xA;
	s6 =	sshll.u32 s16, $0x9  }
0x4: {  	s3 =	simm.s32 $0x0;
	s2 =	rddreg [dreg:$0x3];
	s15 =	sor.u32 s6, s5  }
0x5: {  	[smem:$0x7FF] =	sst s3;
	s5 =	sshrl.u32 s15, $0x3  }
0x6: {  	_ =	strace $0x80000047;
	s5 =	sadd.s32 s4, s5;
	s4 =	simm.s32 $0x2  }
0x7: {  	[tilespmem:s3], [sflag:$0x2] =	stream.linear.gather [hbm4b:s5+s3], $0x200, $0x38;
	[tilespmem:$0x8200] =	vst v63  }
0x8: {  	_ =	swait.ge [sflag:s4], $0x200  }
0x9: {  	[sflag:s4] =	ssyncset.done $0x0  }
0xa: {  	s7 =	simm.s32 $0x200;
	s6 =	simm.s32 $0x80;
	[sflag:s4] =	ssyncadd.s32 $0xFFFFFE00  }
0xb: {  	[tilespmem:s7], [sflag:$0x1] =	stream.indirect.gather [hbm4b:s1+s6], $0x40, s3, s6, $0xb8;
	[tilespmem:$0x8200] =	vst v63  }
0xc: {  	s8 =	simm.s32 $0x2200  }
0xd: {  	[tilespmem:s8], [sflag:$0x1] =	stream.indirect.gather [hbm4b:s1+s6], $0x40, s6, s6, $0xb8;
	[tilespmem:$0x8200] =	vst v63  }
0xe: {  	s9 =	simm.s32 $0x100;
	s10 =	simm.s32 $0x4200  }
0xf: {  	[tilespmem:s10], [sflag:$0x1] =	stream.indirect.gather [hbm4b:s1+s6], $0x40, s9, s6, $0xb8;
	[tilespmem:$0x8200] =	vst v63  }
0x10: {  	s11 =	simm.s32 $0x180;
	s12 =	simm.s32 $0x6200;
	s13 =	simm.s32 $0x1  }
0x11: {  	[tilespmem:s12], [sflag:$0x1] =	stream.indirect.gather [hbm4b:s1+s6], $0x40, s11, s6, $0xb8;
	[tilespmem:$0x8200] =	vst v63  }
0x12: {  	_ =	swait.ge [sflag:s13], $0x2000  }
0x13: {  	[sflag:s13] =	ssyncset.done $0x0  }
0x14: {  	[sflag:s13] =	ssyncadd.s32 $0xFFFFE000  }
0x15: {  	_ =	swait.ge [sflag:s13], $0x2000  }
0x16: {  	[sflag:s13] =	ssyncset.done $0x0  }
0x17: {  	[sflag:s13] =	ssyncadd.s32 $0xFFFFE000  }
0x18: {  	_ =	swait.ge [sflag:s13], $0x2000  }
0x19: {  	[sflag:s13] =	ssyncset.done $0x0  }
0x1a: {  	[sflag:s13] =	ssyncadd.s32 $0xFFFFE000  }
0x1b: {  	_ =	swait.ge [sflag:s13], $0x2000  }
0x1c: {  	s15 =	sshll.u32 s15, $0x3;
	[sflag:s13] =	ssyncset.done $0x0  }
0x1d: {  	s14 =	sadd.s32 s14, s15;
	[sflag:s13] =	ssyncadd.s32 $0xFFFFE000  }
0x1e: {  	[hbm4b:s14+s3] =	stream.linear.scatter [tilespmem:s7], [sflag:$0x2], $0x2000, $0x38;
	[tilespmem:$0x8200] =	vst v63  }
0x1f: {  	_ =	swait.ge [sflag:s4], $0x2000  }
0x20: {  	[sflag:s4] =	ssyncset.done $0x0  }
0x21: {  	s17 =	ssub.s32 $0x2, s16;
	s15 =	sadd.s32 $0x400, s14;
	[sflag:s4] =	ssyncadd.s32 $0xFFFFE000  }
0x22: {  	[hbm4b:s15+s3] =	stream.linear.scatter [tilespmem:s8], [sflag:$0x2], $0x2000, $0x38;
	[tilespmem:$0x8200] =	vst v63  }
0x23: {  	s18 =	sshrl.u32 s17, $0x1;
	_ =	swait.ge [sflag:s4], $0x2000  }
0x24: {  	s18 =	ssub.s32 s17, s18;
	[sflag:s4] =	ssyncset.done $0x0  }
0x25: {  	s18 =	smax.u32 s18, $0x1;
	s16 =	sadd.s32 $0x800, s14;
	[sflag:s4] =	ssyncadd.s32 $0xFFFFE000  }
0x26: {  	[hbm4b:s16+s3] =	stream.linear.scatter [tilespmem:s10], [sflag:$0x2], $0x2000, $0x38;
	[tilespmem:$0x8200] =	vst v63  }
0x27: {  	p0 =	sne.s32 s18, $0x1;
	_ =	swait.ge [sflag:s4], $0x2000  }
.Ltmp0:
0x28: {  	[sflag:s4] =	ssyncset.done $0x0;
	(pc) =	sbr.rel @!p0 .LBB2_2-.Ltmp0, $4  }
0x29: {  	s17 =	sadd.s32 $0xC00, s14;
	[sflag:s4] =	ssyncadd.s32 $0xFFFFE000  }
0x2a: {  	[hbm4b:s17+s3] =	stream.linear.scatter [tilespmem:s12], [sflag:$0x2], $0x2000, $0x38;
	[tilespmem:$0x8200] =	vst v63  }
0x2b: {  	_ =	swait.ge [sflag:s4], $0x2000  }
0x2c: {  	s18 =	sadd.s32 $0xFFFFFFFF, s18;
	[sflag:s4] =	ssyncset.done $0x0  }
.LBB2_1:
0x2d: {  	p0 =	sne.s32 s18, $0x1;
	s18 =	sadd.s32 $0xFFFFFFFF, s18;
	[sflag:s4] =	ssyncadd.s32 $0xFFFFE000  }
0x2e: {  	[tilespmem:s3], [sflag:$0x2] =	stream.linear.gather [hbm4b:s5+s3], $0x200, $0x38;
	[tilespmem:$0x8200] =	vst v63  }
0x2f: {  	_ =	swait.ge [sflag:s4], $0x200  }
0x30: {  	[sflag:s4] =	ssyncset.done $0x0  }
0x31: {  	[sflag:s4] =	ssyncadd.s32 $0xFFFFFE00  }
0x32: {  	[tilespmem:s7], [sflag:$0x1] =	stream.indirect.gather [hbm4b:s1+s6], $0x40, s3, s6, $0xb8;
	[tilespmem:$0x8200] =	vst v63  }
0x33: {  	_ = 	snop  }
0x34: {  	[tilespmem:s8], [sflag:$0x1] =	stream.indirect.gather [hbm4b:s1+s6], $0x40, s6, s6, $0xb8;
	[tilespmem:$0x8200] =	vst v63  }
0x35: {  	_ = 	snop  }
0x36: {  	[tilespmem:s10], [sflag:$0x1] =	stream.indirect.gather [hbm4b:s1+s6], $0x40, s9, s6, $0xb8;
	[tilespmem:$0x8200] =	vst v63  }
0x37: {  	_ = 	snop  }
0x38: {  	[tilespmem:s12], [sflag:$0x1] =	stream.indirect.gather [hbm4b:s1+s6], $0x40, s11, s6, $0xb8;
	[tilespmem:$0x8200] =	vst v63  }
0x39: {  	_ =	swait.ge [sflag:s13], $0x2000  }
0x3a: {  	[sflag:s13] =	ssyncset.done $0x0  }
0x3b: {  	[sflag:s13] =	ssyncadd.s32 $0xFFFFE000  }
0x3c: {  	_ =	swait.ge [sflag:s13], $0x2000  }
0x3d: {  	[sflag:s13] =	ssyncset.done $0x0  }
0x3e: {  	[sflag:s13] =	ssyncadd.s32 $0xFFFFE000  }
0x3f: {  	_ =	swait.ge [sflag:s13], $0x2000  }
0x40: {  	[sflag:s13] =	ssyncset.done $0x0  }
0x41: {  	[sflag:s13] =	ssyncadd.s32 $0xFFFFE000  }
0x42: {  	_ =	swait.ge [sflag:s13], $0x2000  }
0x43: {  	[sflag:s13] =	ssyncset.done $0x0  }
0x44: {  	[sflag:s13] =	ssyncadd.s32 $0xFFFFE000  }
0x45: {  	[hbm4b:s14+s3] =	stream.linear.scatter [tilespmem:s7], [sflag:$0x2], $0x2000, $0x38;
	[tilespmem:$0x8200] =	vst v63  }
0x46: {  	_ =	swait.ge [sflag:s4], $0x2000  }
0x47: {  	[sflag:s4] =	ssyncset.done $0x0  }
0x48: {  	[sflag:s4] =	ssyncadd.s32 $0xFFFFE000  }
0x49: {  	[hbm4b:s15+s3] =	stream.linear.scatter [tilespmem:s8], [sflag:$0x2], $0x2000, $0x38;
	[tilespmem:$0x8200] =	vst v63  }
0x4a: {  	_ =	swait.ge [sflag:s4], $0x2000  }
0x4b: {  	[sflag:s4] =	ssyncset.done $0x0  }
0x4c: {  	[sflag:s4] =	ssyncadd.s32 $0xFFFFE000  }
0x4d: {  	[hbm4b:s16+s3] =	stream.linear.scatter [tilespmem:s10], [sflag:$0x2], $0x2000, $0x38;
	[tilespmem:$0x8200] =	vst v63  }
0x4e: {  	_ =	swait.ge [sflag:s4], $0x2000  }
.Ltmp1:
0x4f: {  	[sflag:s4] =	ssyncset.done $0x0;
	(pc) =	sbr.rel @p0 .LBB2_1-.Ltmp1, $4  }
0x50: {  	[sflag:s4] =	ssyncadd.s32 $0xFFFFE000  }
0x51: {  	[hbm4b:s17+s3] =	stream.linear.scatter [tilespmem:s12], [sflag:$0x2], $0x2000, $0x38;
	[tilespmem:$0x8200] =	vst v63  }
0x52: {  	_ =	swait.ge [sflag:s4], $0x2000  }
0x53: {  	[sflag:s4] =	ssyncset.done $0x0  }
.LBB2_2:
0x54: {  	[sflag:s4] =	ssyncadd.s32 $0xFFFFE000  }
0x55: {  	_ =	sfence.sel $0x180000  }
0x56: {  	[bflag:$0x0] =	sbarrier.arrive $0xFFFF  }
0x57: {  	p0 =	sne.s32 s0, $0x0;
	_ =	strace $0x90000047  }
0x58: {  	s0 =	sadd.s32 @!p0 $0x100000, s2;
	[bflag:$0x2] =	sbarrier.arrive $0xFFFF  }
0x59: {  	[sflag:s0] =	ssyncadd.tile.s32 @!p0 $0x1;
	_ =	shalt  }
.Lfunc_end2:
_tile_overlayer_lowered:
.L_overlay_start_2:
0x5a: {  	(tag) =	ssettag $0x2  }
0x5b: {  	s0 =	rddreg [dreg:$0x0];
	s2 =	stileid.u32  }
0x5c: {  	s1 =	rddreg [dreg:$0x1];
	p0 =	sne.s32 s2, $0x0  }
0x5d: {  	s3 =	rddreg [dreg:$0x2];
	[bflag:$0x3] =	sbarrier.arrive $0xFFFF;
	s2 =	simm.s32 @!p0 $0x1C02  }
0x5e: {  	[timem:s3], [sflag:s2] =	dma.local @!p0 [hbm:s0], s1  }
0x5f: {  	s0 =	simm.s32 @!p0 $0x2  }
0x60: {  	_ =	swait.ge @!p0 [sflag:s0], s1  }
0x61: {  	s1 =	ssub.s32 @!p0 $0x0, s1;
	[sflag:s0] =	ssyncset.done @!p0 $0x0  }
0x62: {  	[sflag:s0] =	ssyncadd.s32 @!p0 s1  }
0x63: {  	[bflag:$0x3] =	sbarrier.arrive $0xFFFF  }
0x64: {  	_ =	shalt  }

</sc_bundles>
